<compile_context>
chip_gen: v7x
topology: tpu7x:2x2x1
jax: 0.10.2.dev20260603
libtpu: 0.0.44.dev20260713+nightly
codegen_flags: <defaults>
</compile_context>

<pallas_src>
import jax
import jax.numpy as jnp
from jax.experimental import pallas as pl
from jax.experimental.pallas import tpu as pltpu

_NUM_HIER = 6


def _bias_body(hsp_ref, tp_ref, j2h_ref, o_ref):
    j2h = j2h_ref[...]
    J = j2h.shape[0]
    C = hsp_ref.shape[1]
    hsp_g = jnp.zeros((J, C), jnp.float32)
    for h in range(_NUM_HIER):
        hsp_g = jnp.where(j2h == h, hsp_ref[h:h + 1, :], hsp_g)
    o_ref[...] = hsp_g[None, :, :] + tp_ref[...][:, None, :]


def _add_body(x_ref, b_ref, o_ref):
    o_ref[...] = x_ref[...] + b_ref[...][None, :, :]


def kernel(x, hsp_W, tp_W, joint2hier):
    B, N, J, C = x.shape
    j2h = joint2hier.reshape(J, 1)

    bias = pl.pallas_call(
        _bias_body,
        grid=(1,),
        in_specs=[
            pl.BlockSpec((_NUM_HIER, C), lambda i: (0, 0)),
            pl.BlockSpec((N, C), lambda i: (0, 0)),
            pl.BlockSpec((J, 1), lambda i: (0, 0)),
        ],
        out_specs=pl.BlockSpec((N, J, C), lambda i: (0, 0, 0)),
        out_shape=jax.ShapeDtypeStruct((N, J, C), jnp.float32),
    )(hsp_W, tp_W, j2h)

    x3 = x.reshape(B, N, J * C)
    bias2 = bias.reshape(N, J * C)
    bb = 2
    out = pl.pallas_call(
        _add_body,
        grid=(B // bb,),
        in_specs=[
            pl.BlockSpec((bb, N, J * C), lambda i: (i, 0, 0)),
            pl.BlockSpec((N, J * C), lambda i: (0, 0)),
        ],
        out_specs=pl.BlockSpec((bb, N, J * C), lambda i: (i, 0, 0)),
        out_shape=jax.ShapeDtypeStruct((B, N, J * C), x.dtype),
        compiler_params=pltpu.CompilerParams(
            dimension_semantics=("arbitrary",),
        ),
    )(x3, bias2)
    return out.reshape(B, N, J, C)

# --- scband reference (transcript-rebuilt; emitter-appended) ---
"""Pipeline reference for scband-hierarchical-embedding-32014686224785 (READ-ONLY COPY).

The authoritative reference and input builder live on the scoring server;
editing this copy changes nothing except your own understanding.
"""

import jax, jax.numpy as jnp
import numpy as np

# 17-joint H36M skeleton, hierarchy depth levels in [0, 6)
SKELETON_HIERARCHY = [0, 1, 2, 3, 1, 2, 3, 1, 2, 3, 4, 3, 4, 5, 3, 4, 5]


def _sinusoidal_emb(num_frames, dim):
    pos = np.arange(num_frames, dtype=np.float64)[:, None]
    div = np.exp(np.arange(0, dim, 2, dtype=np.float64) * (-np.log(10000.0) / dim))
    emb = np.zeros((num_frames, dim), dtype=np.float32)
    emb[:, 0::2] = np.sin(pos * div).astype(np.float32)
    emb[:, 1::2] = np.cos(pos * div).astype(np.float32)
    return jnp.asarray(emb)


def setup_inputs(seed: int = 0) -> dict:
    key = jax.random.key(seed)
    k1, k2 = jax.random.split(key)
    B, N, J, C = 128, 243, 17, 128
    num_hier = 6
    x = jax.random.normal(k1, (B, N, J, C), dtype=jnp.float32)
    # learnable hierarchical spatial embedding table [num_hier, emb_dim]
    hsp_W = jax.random.normal(k2, (num_hier, C), dtype=jnp.float32) * 0.02
    # frozen sinusoidal temporal embedding table [num_frames, emb_dim]
    tp_W = _sinusoidal_emb(N, C)
    joint2hier = jnp.asarray(SKELETON_HIERARCHY, dtype=jnp.int32)
    return {"x": x, "hsp_W": hsp_W, "tp_W": tp_W, "joint2hier": joint2hier}


def reference(x, hsp_W, tp_W, joint2hier):
    B, N, J, C = x.shape
    # hierarchical spatial embedding: gather hsp_W rows by joint hierarchy level -> [J, C]
    hsp = jnp.take(hsp_W, joint2hier, axis=0)
    # temporal embedding: gather first N rows of tp_W -> [N, C]
    tp_idx = jnp.arange(N, dtype=jnp.int32)
    tp = jnp.take(tp_W, tp_idx, axis=0)
    # broadcast-add (matches expand in torch): hsp over (B, N), tp over (B, J)
    x_emb = x + hsp[None, None, :, :] + tp[None, :, None, :]
    return x_emb

if __name__ == "__main__":
    import jax
    _d = setup_inputs()
    print(jax.jit(kernel)(*tuple(_d.values())))

</pallas_src>

<mosaic_0001>
module attributes {stable_mosaic.version = 14 : i64} {
  func.func @_bias_body(%arg0: i32, %arg1: memref<6x128xf32, #tpu.memory_space<vmem>>, %arg2: memref<243x128xf32, #tpu.memory_space<vmem>>, %arg3: memref<17x1xi32, #tpu.memory_space<vmem>>, %arg4: memref<243x17x128xf32, #tpu.memory_space<vmem>>) attributes {dimension_semantics = [#tpu.dimension_semantics<arbitrary>], iteration_bounds = array<i64: 1>, scalar_prefetch = 0 : i64, scratch_operands = 0 : i64, tpu.core_type = #tpu.core_type<tc>, window_params = [{pipeline_mode = #tpu.pipeline_mode<synchronous>, transform_indices = @transform_0, window_bounds = array<i64: 6, 128>}, {pipeline_mode = #tpu.pipeline_mode<synchronous>, transform_indices = @transform_1, window_bounds = array<i64: 243, 128>}, {pipeline_mode = #tpu.pipeline_mode<synchronous>, transform_indices = @transform_2, window_bounds = array<i64: 17, 1>}, {pipeline_mode = #tpu.pipeline_mode<synchronous>, transform_indices = @transform_3, window_bounds = array<i64: 243, 17, 128>}]} {
    %get3A = arith.constant 0 : index
    %get3A_0 = arith.constant 0 : index
    %get3A_1 = vector.load %arg3[%get3A, %get3A_0] : memref<17x1xi32, #tpu.memory_space<vmem>>, vector<17x1xi32>
    %broadcast_in_dim3A = arith.constant 0.000000e+00 : f32
    %broadcast_in_dim3A_2 = vector.broadcast %broadcast_in_dim3A : f32 to vector<17x128xf32>
    %eq3A = arith.constant 0 : i32
    %eq3A_3 = vector.broadcast %eq3A : i32 to vector<17x1xi32>
    %eq3A_4 = arith.cmpi eq, %get3A_1, %eq3A_3 : vector<17x1xi32>
    %get3A_5 = arith.constant 0 : index
    %get3A_6 = arith.constant 0 : index
    %get3A_7 = vector.load %arg1[%get3A_5, %get3A_6] : memref<6x128xf32, #tpu.memory_space<vmem>>, vector<1x128xf32>
    %broadcast_in_dim3A_8 = vector.shape_cast %eq3A_4 : vector<17x1xi1> to vector<17x1xi1>
    %broadcast_in_dim3A_9 = vector.broadcast %broadcast_in_dim3A_8 : vector<17x1xi1> to vector<17x128xi1>
    %broadcast_in_dim3A_10 = vector.shape_cast %get3A_7 : vector<1x128xf32> to vector<1x128xf32>
    %broadcast_in_dim3A_11 = vector.broadcast %broadcast_in_dim3A_10 : vector<1x128xf32> to vector<17x128xf32>
    %select_n3A = arith.select %broadcast_in_dim3A_9, %broadcast_in_dim3A_11, %broadcast_in_dim3A_2 : vector<17x128xi1>, vector<17x128xf32>
    %eq3A_12 = arith.constant 1 : i32
    %eq3A_13 = vector.broadcast %eq3A_12 : i32 to vector<17x1xi32>
    %eq3A_14 = arith.cmpi eq, %get3A_1, %eq3A_13 : vector<17x1xi32>
    %get3A_15 = arith.constant 1 : index
    %get3A_16 = arith.constant 0 : index
    %get3A_17 = vector.load %arg1[%get3A_15, %get3A_16] : memref<6x128xf32, #tpu.memory_space<vmem>>, vector<1x128xf32>
    %broadcast_in_dim3A_18 = vector.shape_cast %eq3A_14 : vector<17x1xi1> to vector<17x1xi1>
    %broadcast_in_dim3A_19 = vector.broadcast %broadcast_in_dim3A_18 : vector<17x1xi1> to vector<17x128xi1>
    %broadcast_in_dim3A_20 = vector.shape_cast %get3A_17 : vector<1x128xf32> to vector<1x128xf32>
    %broadcast_in_dim3A_21 = vector.broadcast %broadcast_in_dim3A_20 : vector<1x128xf32> to vector<17x128xf32>
    %select_n3A_22 = arith.select %broadcast_in_dim3A_19, %broadcast_in_dim3A_21, %select_n3A : vector<17x128xi1>, vector<17x128xf32>
    %eq3A_23 = arith.constant 2 : i32
    %eq3A_24 = vector.broadcast %eq3A_23 : i32 to vector<17x1xi32>
    %eq3A_25 = arith.cmpi eq, %get3A_1, %eq3A_24 : vector<17x1xi32>
    %get3A_26 = arith.constant 2 : index
    %get3A_27 = arith.constant 0 : index
    %get3A_28 = vector.load %arg1[%get3A_26, %get3A_27] : memref<6x128xf32, #tpu.memory_space<vmem>>, vector<1x128xf32>
    %broadcast_in_dim3A_29 = vector.shape_cast %eq3A_25 : vector<17x1xi1> to vector<17x1xi1>
    %broadcast_in_dim3A_30 = vector.broadcast %broadcast_in_dim3A_29 : vector<17x1xi1> to vector<17x128xi1>
    %broadcast_in_dim3A_31 = vector.shape_cast %get3A_28 : vector<1x128xf32> to vector<1x128xf32>
    %broadcast_in_dim3A_32 = vector.broadcast %broadcast_in_dim3A_31 : vector<1x128xf32> to vector<17x128xf32>
    %select_n3A_33 = arith.select %broadcast_in_dim3A_30, %broadcast_in_dim3A_32, %select_n3A_22 : vector<17x128xi1>, vector<17x128xf32>
    %eq3A_34 = arith.constant 3 : i32
    %eq3A_35 = vector.broadcast %eq3A_34 : i32 to vector<17x1xi32>
    %eq3A_36 = arith.cmpi eq, %get3A_1, %eq3A_35 : vector<17x1xi32>
    %get3A_37 = arith.constant 3 : index
    %get3A_38 = arith.constant 0 : index
    %get3A_39 = vector.load %arg1[%get3A_37, %get3A_38] : memref<6x128xf32, #tpu.memory_space<vmem>>, vector<1x128xf32>
    %broadcast_in_dim3A_40 = vector.shape_cast %eq3A_36 : vector<17x1xi1> to vector<17x1xi1>
    %broadcast_in_dim3A_41 = vector.broadcast %broadcast_in_dim3A_40 : vector<17x1xi1> to vector<17x128xi1>
    %broadcast_in_dim3A_42 = vector.shape_cast %get3A_39 : vector<1x128xf32> to vector<1x128xf32>
    %broadcast_in_dim3A_43 = vector.broadcast %broadcast_in_dim3A_42 : vector<1x128xf32> to vector<17x128xf32>
    %select_n3A_44 = arith.select %broadcast_in_dim3A_41, %broadcast_in_dim3A_43, %select_n3A_33 : vector<17x128xi1>, vector<17x128xf32>
    %eq3A_45 = arith.constant 4 : i32
    %eq3A_46 = vector.broadcast %eq3A_45 : i32 to vector<17x1xi32>
    %eq3A_47 = arith.cmpi eq, %get3A_1, %eq3A_46 : vector<17x1xi32>
    %get3A_48 = arith.constant 4 : index
    %get3A_49 = arith.constant 0 : index
    %get3A_50 = vector.load %arg1[%get3A_48, %get3A_49] : memref<6x128xf32, #tpu.memory_space<vmem>>, vector<1x128xf32>
    %broadcast_in_dim3A_51 = vector.shape_cast %eq3A_47 : vector<17x1xi1> to vector<17x1xi1>
    %broadcast_in_dim3A_52 = vector.broadcast %broadcast_in_dim3A_51 : vector<17x1xi1> to vector<17x128xi1>
    %broadcast_in_dim3A_53 = vector.shape_cast %get3A_50 : vector<1x128xf32> to vector<1x128xf32>
    %broadcast_in_dim3A_54 = vector.broadcast %broadcast_in_dim3A_53 : vector<1x128xf32> to vector<17x128xf32>
    %select_n3A_55 = arith.select %broadcast_in_dim3A_52, %broadcast_in_dim3A_54, %select_n3A_44 : vector<17x128xi1>, vector<17x128xf32>
    %eq3A_56 = arith.constant 5 : i32
    %eq3A_57 = vector.broadcast %eq3A_56 : i32 to vector<17x1xi32>
    %eq3A_58 = arith.cmpi eq, %get3A_1, %eq3A_57 : vector<17x1xi32>
    %get3A_59 = arith.constant 5 : index
    %get3A_60 = arith.constant 0 : index
    %get3A_61 = vector.load %arg1[%get3A_59, %get3A_60] : memref<6x128xf32, #tpu.memory_space<vmem>>, vector<1x128xf32>
    %broadcast_in_dim3A_62 = vector.shape_cast %eq3A_58 : vector<17x1xi1> to vector<17x1xi1>
    %broadcast_in_dim3A_63 = vector.broadcast %broadcast_in_dim3A_62 : vector<17x1xi1> to vector<17x128xi1>
    %broadcast_in_dim3A_64 = vector.shape_cast %get3A_61 : vector<1x128xf32> to vector<1x128xf32>
    %broadcast_in_dim3A_65 = vector.broadcast %broadcast_in_dim3A_64 : vector<1x128xf32> to vector<17x128xf32>
    %select_n3A_66 = arith.select %broadcast_in_dim3A_63, %broadcast_in_dim3A_65, %select_n3A_55 : vector<17x128xi1>, vector<17x128xf32>
    %broadcast_in_dim3A_67 = vector.shape_cast %select_n3A_66 : vector<17x128xf32> to vector<1x17x128xf32>
    %get3A_68 = arith.constant 0 : index
    %get3A_69 = arith.constant 0 : index
    %get3A_70 = vector.load %arg2[%get3A_68, %get3A_69] : memref<243x128xf32, #tpu.memory_space<vmem>>, vector<243x128xf32>
    %broadcast_in_dim3A_71 = vector.shape_cast %get3A_70 : vector<243x128xf32> to vector<243x1x128xf32>
    %add3A = vector.broadcast %broadcast_in_dim3A_67 : vector<1x17x128xf32> to vector<243x17x128xf32>
    %add3A_72 = vector.broadcast %broadcast_in_dim3A_71 : vector<243x1x128xf32> to vector<243x17x128xf32>
    %add3A_73 = arith.addf %add3A, %add3A_72 : vector<243x17x128xf32>
    %swap3A = arith.constant 0 : index
    %swap3A_74 = arith.constant 0 : index
    %swap3A_75 = arith.constant 0 : index
    %swap3A_76 = vector.load %arg4[%swap3A, %swap3A_74, %swap3A_75] : memref<243x17x128xf32, #tpu.memory_space<vmem>>, vector<243x17x128xf32>
    tpu.vector_store %arg4[%swap3A, %swap3A_74, %swap3A_75], %add3A_73 {strides = array<i32>} : memref<243x17x128xf32, #tpu.memory_space<vmem>>, vector<243x17x128xf32>,
    return
  }
  func.func @transform_0(%arg0: i32) -> (i32, i32) {
    %c0_i32 = arith.constant 0 : i32
    %c0_i32_0 = arith.constant 0 : i32
    %c0_i32_1 = arith.constant 0 : i32
    return %c0_i32, %c0_i32_0 : i32, i32
  }
  func.func @transform_1(%arg0: i32) -> (i32, i32) {
    %c0_i32 = arith.constant 0 : i32
    %c0_i32_0 = arith.constant 0 : i32
    %c0_i32_1 = arith.constant 0 : i32
    return %c0_i32, %c0_i32_0 : i32, i32
  }
  func.func @transform_2(%arg0: i32) -> (i32, i32) {
    %c0_i32 = arith.constant 0 : i32
    %c0_i32_0 = arith.constant 0 : i32
    %c0_i32_1 = arith.constant 0 : i32
    return %c0_i32, %c0_i32_0 : i32, i32
  }
  func.func @transform_3(%arg0: i32) -> (i32, i32, i32) {
    %c0_i32 = arith.constant 0 : i32
    %c0_i32_0 = arith.constant 0 : i32
    %c0_i32_1 = arith.constant 0 : i32
    %c0_i32_2 = arith.constant 0 : i32
    return %c0_i32, %c0_i32_0, %c0_i32_1 : i32, i32, i32
  }
}

module attributes {stable_mosaic.version = 14 : i64} {
  func.func @_add_body(%arg0: i32, %arg1: memref<2x243x2176xf32, #tpu.memory_space<vmem>>, %arg2: memref<243x2176xf32, #tpu.memory_space<vmem>>, %arg3: memref<2x243x2176xf32, #tpu.memory_space<vmem>>) attributes {dimension_semantics = [#tpu.dimension_semantics<arbitrary>], iteration_bounds = array<i64: 64>, scalar_prefetch = 0 : i64, scratch_operands = 0 : i64, tpu.core_type = #tpu.core_type<tc>, window_params = [{transform_indices = @transform_0, window_bounds = array<i64: 2, 243, 2176>}, {pipeline_mode = #tpu.pipeline_mode<synchronous>, transform_indices = @transform_1, window_bounds = array<i64: 243, 2176>}, {transform_indices = @transform_2, window_bounds = array<i64: 2, 243, 2176>}]} {
    %get3A = arith.constant 0 : index
    %get3A_0 = arith.constant 0 : index
    %get3A_1 = arith.constant 0 : index
    %get3A_2 = vector.load %arg1[%get3A, %get3A_0, %get3A_1] : memref<2x243x2176xf32, #tpu.memory_space<vmem>>, vector<2x243x2176xf32>
    %get3A_3 = arith.constant 0 : index
    %get3A_4 = arith.constant 0 : index
    %get3A_5 = vector.load %arg2[%get3A_3, %get3A_4] : memref<243x2176xf32, #tpu.memory_space<vmem>>, vector<243x2176xf32>
    %broadcast_in_dim3A = vector.shape_cast %get3A_5 : vector<243x2176xf32> to vector<1x243x2176xf32>
    %add3A = vector.broadcast %broadcast_in_dim3A : vector<1x243x2176xf32> to vector<2x243x2176xf32>
    %add3A_6 = arith.addf %get3A_2, %add3A : vector<2x243x2176xf32>
    %swap3A = arith.constant 0 : index
    %swap3A_7 = arith.constant 0 : index
    %swap3A_8 = arith.constant 0 : index
    %swap3A_9 = vector.load %arg3[%swap3A, %swap3A_7, %swap3A_8] : memref<2x243x2176xf32, #tpu.memory_space<vmem>>, vector<2x243x2176xf32>
    tpu.vector_store %arg3[%swap3A, %swap3A_7, %swap3A_8], %add3A_6 {strides = array<i32>} : memref<2x243x2176xf32, #tpu.memory_space<vmem>>, vector<2x243x2176xf32>,
    return
  }
  func.func @transform_0(%arg0: i32) -> (i32, i32, i32) {
    %c0_i32 = arith.constant 0 : i32
    %c0_i32_0 = arith.constant 0 : i32
    %c0_i32_1 = arith.constant 0 : i32
    return %arg0, %c0_i32, %c0_i32_0 : i32, i32, i32
  }
  func.func @transform_1(%arg0: i32) -> (i32, i32) {
    %c0_i32 = arith.constant 0 : i32
    %c0_i32_0 = arith.constant 0 : i32
    %c0_i32_1 = arith.constant 0 : i32
    return %c0_i32, %c0_i32_0 : i32, i32
  }
  func.func @transform_2(%arg0: i32) -> (i32, i32, i32) {
    %c0_i32 = arith.constant 0 : i32
    %c0_i32_0 = arith.constant 0 : i32
    %c0_i32_1 = arith.constant 0 : i32
    return %arg0, %c0_i32, %c0_i32_0 : i32, i32, i32
  }
}

</mosaic_0001>

<sc_bundles>
// kernel: sparse-core-data-format-call.cloned.1.call-start
scs
called_computation_lowered:
.L_overlay_start_0:
0x0: {  	s2 =	sld [smem:$0x3FD9]  }
0x1: {  	s3 =	sld [smem:$0x3FFE];
	_ =	sdelay $0x1  }
0x2: {  	s1 =	srdreg.scid  }
0x3: {  	s0 =	sand.u32 $0x1, s1  }
0x4: {  	s18 =	sshll.u32 s0, $0xA;
	s2 =	sadd.s32 s3, s2  }
0x5: {  	s2 =	sadd.s32 s2, s18  }
0x6: {  	[smem:$0x3FC4] =	sst s2  }
0x7: {  	_ = 	snop  }
0x8: {  	s2 =	sld [smem:$0x3FD0];
	(tm) =	ssettm $0x1  }
0x9: {  	s19 =	sld [smem:$0x3FFB];
	_ =	sdelay $0x3  }
0xa: {  	_ =	strace s19  }
0xb: {  	s3 =	sld [smem:$0x3FFC];
	_ =	sdelay $0x3  }
0xc: {  	_ =	strace s3  }
0xd: {  	s3 =	sld [smem:$0x3FFD];
	_ =	sdelay $0x3  }
0xe: {  	_ =	strace s3  }
0xf: {  	_ =	strace $0x8FFFFFFF  }
0x10: {  	s20 =	sld [smem:$0x3FDB];
	_ =	sdelay $0x1  }
0x11: {  	s4 =	simm.s32 $_scs_section_size  }
0x12: {  	s5 =	simm.s32 $_size__tile_overlayer_lowered;
	s6 =	simm.s32 $_tile_overlayer_lowered  }
0x13: {  	s23 =	simm.s32 $0x1BFF;
	s22 =	sshll.u32 s6, $0x1;
	s3 =	sadd.s32 s4, s20  }
0x14: {  	s7 =	simm.s32 $0x0;
	s21 =	sshll.u32 s5, $0x1;
	s5 =	sadd.s32 s22, s3  }
0x15: {  	[timem:s7], [sflag:s23] =	dma.local [hbm:s5], s21  }
0x16: {  	_ =	swait.ge [sflag:s23], s21  }
0x17: {  	s4 =	ssub.s32 $0x0, s21;
	[sflag:s23] =	ssyncset.done $0x0  }
0x18: {  	[sflag:s23] =	ssyncadd.s32 s4;
	_ =	sdelay $0x1  }
0x19: {  	s24 =	simm.s32 $0x1B8B  }
0x1a: {  	_ =	swait.ge [sflag:s24], $0x1  }
0x1b: {  	[sflag:s24] =	ssyncset.done $0x0  }
0x1c: {  	s26 =	simm.s32 $0x1B8E;
	s25 =	sld [smem:$0x3FFE];
	[sflag:s24] =	ssyncadd.s32 $0xFFFFFFFF  }
0x1d: {  	s27 =	simm.s32 $execute0_lowered;
	[smem:$0x3FD2] =	sst s26  }
0x1e: {  	s5 =	sshll.u32 s27, $0x1;
	_ =	strace $0x80000046;
	[dreg:$0x1] =	wrdreg $0xFFFFFFFF  }
0x1f: {  	s28 =	simm.s32 $_size_execute0_lowered;
	s3 =	sadd.s32 s3, s5;
	[dreg:$0x0] =	wrdreg $0x0  }
0x20: {  	s5 =	sshll.u32 s28, $0x1;
	[dreg:$0x2] =	wrdreg s3  }
0x21: {  	[dreg:$0x3] =	wrdreg s5  }
0x22: {  	[dreg:$0x4] =	wrdreg $0xC0  }
0x23: {  	_ =	task [dreg:s7], $0x5FFFF  }
0x24: {  	[dreg:$0x1] =	wrdreg $0xFFFFFFFF  }
0x25: {  	[dreg:$0x0] =	wrdreg $0x60  }
0x26: {  	[dreg:$0x2] =	wrdreg s25  }
0x27: {  	[dreg:$0x3] =	wrdreg s2  }
0x28: {  	[dreg:$0x4] =	wrdreg $0x9  }
0x29: {  	_ =	task.clear_ibuf [dreg:s7], $0x5FFFF;
	_ =	strace $0x90000046  }
0x2a: {  	s29 =	simm.s32 $0x9;
	_ =	strace $0x80000048  }
0x2b: {  	_ =	swait.ge [sflag:s29], $0x1  }
0x2c: {  	[sflag:s29] =	ssyncadd.s32 $0xFFFFFFFF  }
0x2d: {  	_ =	strace $0x90000048  }
0x2e: {  	_ =	sfence  }
0x2f: {  	s30 =	sld [smem:$0x0];
	_ =	sdelay $0x2  }
0x30: {  	s31 =	sshll.u32 s1, $0xD;
	s1 =	sshrl.u32 s1, $0x2  }
0x31: {  	s3 =	sand.u32 $0x4000, s31;
	s1 =	sadd.s32 s1, s30  }
0x32: {  	s0 =	sor.u32 s3, s0;
	s1 =	sshll.u32 s1, $0x11  }
0x33: {  	s0 =	sor.u32 s1, s0  }
0x34: {  	s0 =	sadd.s32 $0x8F2B, s0  }
0x35: {  	[sflag:s0] =	ssyncadd.remote.s32 $0x1  }
0x36: {  	_ =	sfence.sel $0xFFFF  }
0x37: {  	[dreg:$0x0] =	wrdreg $0xFFFFFFFF;
	(pc) =	sbr.abs _section_cstart, $3  }
0x38: {  	[dreg:$0x1] =	wrdreg $0xFFFFFFFF  }
0x39: {  	_ =	task.clear_ibuf [dreg:s7], $0x2FFFF;
	_ =	strace $0x9FFFFFFF  }
0x3a: {  	(tm) =	ssettm $0x7FFFFFFF  }
0x3b: {  	_ =	shalt  }
tec
execute0_lowered:
.L_overlay_start_1:
0x0: {  	(tag) =	ssettag $0x1  }
0x1: {  	s0 =	srdreg.scid;
	s6 =	rddreg [dreg:$0x0]  }
0x2: {  	s3 =	rddreg [dreg:$0x1];
	s7 =	simm.s32 $0x2;
	s1 =	sshll.u32 s0, $0x4  }
0x3: {  	s8 =	simm.s32 $0x0;
	s0 =	stileid.u32;
	s1 =	sand.u32 $0x10, s1  }
0x4: {  	p0 =	por $0x0, $0x0;
	s12 =	simm.s32 $0x0;
	s2 =	sor.u32 s0, s1  }
.Ltmp0:
0x5: {  	s13 =	simm.s32 $0x0;
	s4 =	ssub.s32 $0x112, s2;
	(pc) =	sbr.rel .LBB1_1-.Ltmp0, $4  }
0x6: {  	s9 =	simm.s32 $0x0;
	s1 =	rddreg [dreg:$0x2];
	s5 =	sshrl.u32 s4, $0x5  }
0x7: {  	_ =	strace $0x80000047;
	s4 =	simm.s32 $0x1;
	s5 =	smul.u32 $0x11, s5  }
0x8: {  	s11 =	simm.s32 $0x0;
	s6 =	sadd.s32 $0xA00, s6;
	[sflag:s4] =	ssyncpa.u1 $0x0  }
0x9: {  	s10 =	smov.u32 s2;
	[sflag:s7] =	ssyncpa.u1 $0x0;
	s7 =	sadd.s32 $0x1, s5  }
.LBB1_4:
0xa: {  	v5 =	vld [tilespmem:s17+$0xFFFFFFD0];
	[tilespmem:s16+$0x2040 ss:$0x81] =	vst.msk $0xffff, v1  }
0xb: {  	v58 =	vld [tilespmem:s17+$0xFFFFFFE0];
	[tilespmem:s16+$0x2850 ss:$0x81] =	vst.msk $0xffff, v2  }
0xc: {  	s18 =	sshra.s32 s18, $0x2;
	v59 =	vld [tilespmem:s17+$0xFFFFFFF0];
	[tilespmem:s16+$0x3060 ss:$0x81] =	vst.msk $0xffff, v3  }
0xd: {  	v60 =	vld [tilespmem:s17+$0x0];
	[tilespmem:s16+$0x0 ss:$0x81] =	vst.msk $0xffff, v0;
	s15 =	sadd.s32 s18, s15  }
0xe: {  	v61 =	vld [tilespmem:s17+$0x10];
	[tilespmem:s15+$0x3870 ss:$0x81] =	vst.msk $0xffff, v4  }
0xf: {  	v62 =	vld [tilespmem:s17+$0x20];
	[tilespmem:s15+$0x810 ss:$0x81] =	vst.msk $0xffff, v5  }
0x10: {  	v63 =	vld [tilespmem:s17+$0xFFFFFFC0];
	[tilespmem:s15+$0x1020 ss:$0x81] =	vst.msk $0xffff, v58  }
0x11: {  	[tilespmem:s15+$0x1830 ss:$0x81] =	vst.msk $0xffff, v59  }
0x12: {  	s13 =	smul.u32 $0x8800, s13;
	[tilespmem:s15+$0x2040 ss:$0x81] =	vst.msk $0xffff, v60  }
0x13: {  	[tilespmem:s15+$0x2850 ss:$0x81] =	vst.msk $0xffff, v61  }
0x14: {  	s12 =	sshll.u32 s12, $0xB;
	s13 =	sadd.s32 s3, s13;
	[tilespmem:s15+$0x3060 ss:$0x81] =	vst.msk $0xffff, v62  }
0x15: {  	s12 =	sadd.s32 s12, s13;
	[tilespmem:s15+$0x0 ss:$0x81] =	vst.msk $0xffff, v63  }
0x16: {  	[hbm4b:s12+s8] =	stream.linear.scatter [tilespmem:s14], [sflag:$0x2], $0x4000, $0x20;
	[tilespmem:$0x10100] =	vst v63  }
.LBB1_5:
0x17: {  	s14 =	sadd.s32 $0x1, s9  }
0x18: {  	s12 =	sadd.s32 $0x20, s10;
	s16 =	smov.u32 s10;
	p2 =	sgt.s32 s14, $0x10  }
0x19: {  	s16 =	smov.u32 @p2 s12  }
0x1a: {  	s14 =	simm.s32 @p2 $0x0;
	p2 =	sgt.s32 s16, $0xF2  }
0x1b: {  	s16 =	smov.u32 @p2 s2;
	p2 =	sne.s32 s11, s7  }
.Ltmp1:
0x1c: {  	p1 =	slt.u32 s11, $0x2;
	(pc) =	sbr.rel @!p2 .LBB1_6-.Ltmp1, $4  }
0x1d: {  	s15 =	simm.s32 @!p1 $0x2  }
0x1e: {  	s13 =	smov.u32 s10;
	p0 =	por !p0, !p0;
	_ =	swait.ge @!p1 [sflag:s15], $0x4000  }
0x1f: {  	s12 =	smov.u32 s9;
	[sflag:s15] =	ssyncset.done @!p1 $0x0;
	s9 =	smov.u32 s14  }
0x20: {  	s11 =	sadd.s32 $0x1, s11;
	[sflag:s15] =	ssyncadd.s32 @!p1 $0xFFFFC000;
	s10 =	smov.u32 s16  }
.LBB1_1:
0x21: {  	p1 =	sge.u32 s11, s5  }
0x22: {  	s14 =	smul.u32 @!p1 $0x8800, s10  }
0x23: {  	s31 =	sadd.s32 $0xFFFFFFFF, s11;
	s15 =	sxor.u32 @!p1 $0xFFFFFFFF, s11  }
0x24: {  	s16 =	sshll.u32 @!p1 s9, $0xB;
	s15 =	sshll.u32 @!p1 s15, $0xE;
	s14 =	sadd.s32 @!p1 s6, s14  }
0x25: {  	s15 =	sand.u32 @!p1 $0x4000, s15;
	s14 =	sadd.s32 @!p1 s16, s14;
	s16 =	simm.s32 @!p1 $0x0  }
0x26: {  	[tilespmem:s15], [sflag:$0x1] =	stream.linear.gather @!p1 [hbm4b:s14+s16], $0x4000, $0x38;
	[tilespmem:$0x10100] =	vst v63  }
0x27: {  	p1 =	sge.u32 s31, s5  }
.Ltmp2:
0x28: {  	_ = 	snop;
	(pc) =	sbr.rel @p1 .LBB1_5-.Ltmp2, $1  }
0x29: {  	_ =	sdelay $0x3  }
0x2a: {  	s14 =	simm.s32 $0x1  }
0x2b: {  	_ =	swait.ge [sflag:s4], $0x4000;
	s14 =	simm.s32 @!p0 $0x0  }
0x2c: {  	[sflag:s4] =	ssyncset.done $0x0;
	s15 =	sshll.u32 s14, $0xE  }
0x2d: {  	[sflag:s4] =	ssyncadd.s32 $0xFFFFC000;
	s17 =	sor.u32 $0x40, s15  }
0x2e: {  	s14 =	smul.u32 $0x10200, s14;
	v0 =	vld [tilespmem:s17+$0x30]  }
0x2f: {  	v3 =	vld [tilespmem:s17+$0xFFFFFFD0]  }
0x30: {  	s14 =	sshrl.u32 s14, $0x2;
	v4 =	vld [tilespmem:s17+$0xFFFFFFE0]  }
0x31: {  	v5 =	vld [tilespmem:s17+$0xFFFFFFF0];
	s15 =	sor.u32 $0x8000, s14  }
0x32: {  	s31 =	sand.u32 $0x1, s11;
	v1 =	vld [tilespmem:s17+$0x0];
	s16 =	sadd.s32 $0x0, s15  }
0x33: {  	v2 =	vld [tilespmem:s17+$0x10];
	s14 =	smul.u32 $0x10200, s31;
	[tilespmem:s16+$0x3870 ss:$0x81] =	vst.msk $0xffff, v0  }
0x34: {  	[tilespmem:s16+$0x810 ss:$0x81] =	vst.msk $0xffff, v3;
	v3 =	vld [tilespmem:s17+$0x20]  }
0x35: {  	s14 =	sshrl.u32 s14, $0x2;
	v0 =	vld [tilespmem:s17+$0xFFFFFFC0];
	[tilespmem:s16+$0x1020 ss:$0x81] =	vst.msk $0xffff, v4;
	s17 =	sadd.s32 $0x80, s17  }
0x36: {  	s18 =	simm.s32 $0x4;
	s19 =	simm.s32 $0x8;
	s14 =	sor.u32 $0x8000, s14;
	[tilespmem:s16+$0x1830 ss:$0x81] =	vst.msk $0xffff, v5;
	v4 =	vld [tilespmem:s17+$0x30]  }
.LBB1_3:
0x37: {  	p1 =	sne.s32 s19, $0x1FC;
	v5 =	vld [tilespmem:s17+$0xFFFFFFD0];
	[tilespmem:s16+$0x2040 ss:$0x81] =	vst.msk $0xffff, v1  }
0x38: {  	v6 =	vld [tilespmem:s17+$0xFFFFFFE0];
	[tilespmem:s16+$0x2850 ss:$0x81] =	vst.msk $0xffff, v2  }
0x39: {  	s20 =	sshra.s32 s18, $0x2;
	s18 =	smov.u32 s19;
	v7 =	vld [tilespmem:s17+$0xFFFFFFF0];
	[tilespmem:s16+$0x3060 ss:$0x81] =	vst.msk $0xffff, v3  }
.Ltmp3:
0x3a: {  	v1 =	vld [tilespmem:s17+$0x0];
	[tilespmem:s16+$0x0 ss:$0x81] =	vst.msk $0xffff, v0;
	s16 =	sadd.s32 s20, s15;
	(pc) =	sbr.rel @p1 .LBB1_3-.Ltmp3, $4  }
0x3b: {  	v2 =	vld [tilespmem:s17+$0x10];
	[tilespmem:s16+$0x3870 ss:$0x81] =	vst.msk $0xffff, v4  }
0x3c: {  	[tilespmem:s16+$0x810 ss:$0x81] =	vst.msk $0xffff, v5;
	v3 =	vld [tilespmem:s17+$0x20]  }
0x3d: {  	v0 =	vld [tilespmem:s17+$0xFFFFFFC0];
	[tilespmem:s16+$0x1020 ss:$0x81] =	vst.msk $0xffff, v6;
	s17 =	sadd.s32 $0x80, s17  }
0x3e: {  	s19 =	sadd.s32 $0x4, s19;
	v4 =	vld [tilespmem:s17+$0x30];
	[tilespmem:s16+$0x1830 ss:$0x81] =	vst.msk $0xffff, v7  }
.Ltmp4:
0x3f: {  	_ = 	snop;
	(pc) =	sbr.rel .LBB1_4-.Ltmp4, $1  }
0x40: {  	_ =	sdelay $0x3  }
.LBB1_6:
0x41: {  	_ =	sfence.sel $0x180000  }
0x42: {  	s2 =	simm.s32 $0x1;
	[bflag:$0x0] =	sbarrier.arrive $0xFFFF  }
0x43: {  	s31 =	simm.s32 $0x2;
	[sflag:s2] =	ssyncpa.u1 $0x1  }
0x44: {  	[sflag:s31] =	ssyncpa.u1 $0x1  }
0x45: {  	p0 =	sne.s32 s0, $0x0;
	_ =	strace $0x90000047  }
0x46: {  	s0 =	sadd.s32 @!p0 $0x100000, s1;
	[bflag:$0x2] =	sbarrier.arrive $0xFFFF  }
0x47: {  	[sflag:s0] =	ssyncadd.tile.s32 @!p0 $0x1;
	_ =	shalt  }
.Lfunc_end1:
_tile_overlayer_lowered:
.L_overlay_start_2:
0x48: {  	(tag) =	ssettag $0x2  }
0x49: {  	s0 =	rddreg [dreg:$0x0];
	s2 =	stileid.u32  }
0x4a: {  	s1 =	rddreg [dreg:$0x1];
	p0 =	sne.s32 s2, $0x0  }
0x4b: {  	s3 =	rddreg [dreg:$0x2];
	[bflag:$0x3] =	sbarrier.arrive $0xFFFF;
	s2 =	simm.s32 @!p0 $0x1C01  }
0x4c: {  	[timem:s3], [sflag:s2] =	dma.local @!p0 [hbm:s0], s1  }
0x4d: {  	s0 =	simm.s32 @!p0 $0x1  }
0x4e: {  	_ =	swait.ge @!p0 [sflag:s0], s1  }
0x4f: {  	s1 =	ssub.s32 @!p0 $0x0, s1;
	[sflag:s0] =	ssyncset.done @!p0 $0x0  }
0x50: {  	[sflag:s0] =	ssyncadd.s32 @!p0 s1  }
0x51: {  	[bflag:$0x3] =	sbarrier.arrive $0xFFFF  }
0x52: {  	_ =	shalt  }

</sc_bundles>
